<compile_context>
chip_gen: v7x
topology: tpu7x:2x2x1
jax: 0.10.2.dev20260603
libtpu: 0.0.44.dev20260713+nightly
codegen_flags: <defaults>
</compile_context>

<pallas_src>
import functools

import jax
import jax.numpy as jnp
from jax import lax
from jax.experimental import pallas as pl
from jax.experimental.pallas import tpu as pltpu
from jax.experimental.pallas import tpu_sc as plsc

N_TILES = 16
LANES = 16


def _sc_aggregate(x, eidx, zrows, *, n_pad, chunk, n_chunks):
    rows_per_tile = n_pad // N_TILES
    d = x.shape[1]
    mesh = plsc.VectorSubcoreMesh(core_axis_name="c", subcore_axis_name="s")

    @functools.partial(
        pl.kernel,
        out_type=(
            jax.ShapeDtypeStruct((2, n_pad, d), jnp.bfloat16),
            jax.ShapeDtypeStruct((2 * N_TILES * n_pad,), jnp.float32),
        ),
        mesh=mesh,
        scratch_types=[
            pltpu.VMEM((n_chunks, chunk), jnp.int32),
            pltpu.VMEM((n_chunks, chunk), jnp.int32),
            pltpu.VMEM((chunk, d), jnp.bfloat16),
            pltpu.VMEM((chunk, d), jnp.bfloat16),
            pltpu.VMEM((n_pad,), jnp.float32),
            pltpu.VMEM_SHARED((n_pad, d), jnp.bfloat16),
            pltpu.SemaphoreType.DMA,
            pltpu.SemaphoreType.DMA,
        ],
        compiler_params=pltpu.CompilerParams(needs_layout_passes=False, use_tc_tiling_on_sc=False),
    )
    def body(x_hbm, eidx_hbm, zrows_hbm, agg_hbm, cnt_hbm,
             gidx_v, sidx_v, rows0, rows1, cnt_v, acc, sem0, sem1):
        c = lax.axis_index("c")
        s = lax.axis_index("s")
        r0 = s * rows_per_tile

        pltpu.sync_copy(zrows_hbm, acc.at[pl.ds(r0, rows_per_tile)])
        pltpu.sync_copy(eidx_hbm.at[c, s], gidx_v)
        pltpu.sync_copy(eidx_hbm.at[1 - c, s], sidx_v)

        zvec = jnp.zeros((LANES,), jnp.float32)

        @pl.loop(0, n_pad // LANES)
        def _(i):
            cnt_v[pl.ds(i * LANES, LANES)] = zvec

        plsc.subcore_barrier()

        ones = jnp.ones((LANES,), jnp.float32)

        pltpu.async_copy(x_hbm.at[gidx_v.at[0]], rows0, sem0)

        @pl.loop(0, n_chunks, step=2)
        def _(j):
            cp1 = pltpu.async_copy(x_hbm.at[gidx_v.at[j + 1]], rows1, sem1)

            @pl.loop(0, chunk // LANES)
            def _(k):
                idx = sidx_v[j, pl.ds(k * LANES, LANES)]
                plsc.addupdate_scatter(cnt_v, [idx], ones)

            pltpu.make_async_copy(x_hbm.at[pl.ds(0, chunk)], rows0, sem0).wait()
            pltpu.sync_copy(rows0, acc.at[sidx_v.at[j]], add=True)

            @pl.when(j + 2 < n_chunks)
            def _():
                pltpu.async_copy(x_hbm.at[gidx_v.at[j + 2]], rows0, sem0)

            @pl.loop(0, chunk // LANES)
            def _(k):
                idx = sidx_v[j + 1, pl.ds(k * LANES, LANES)]
                plsc.addupdate_scatter(cnt_v, [idx], ones)

            cp1.wait()
            pltpu.sync_copy(rows1, acc.at[sidx_v.at[j + 1]], add=True)

        pltpu.sync_copy(cnt_v, cnt_hbm.at[pl.ds((c * N_TILES + s) * n_pad, n_pad)])
        plsc.subcore_barrier()
        pltpu.sync_copy(acc.at[pl.ds(r0, rows_per_tile)],
                        agg_hbm.at[c, pl.ds(r0, rows_per_tile)])

    x = pltpu.with_memory_space_constraint(x, pltpu.HBM)
    eidx = pltpu.with_memory_space_constraint(eidx, pltpu.HBM)
    zrows = pltpu.with_memory_space_constraint(zrows, pltpu.HBM)
    return body(x, eidx, zrows)


def _tc_combine_body(x_ref, a0_ref, a1_ref, c0_ref, c1_ref,
                     wl_ref, ws_ref, wt_ref, bl_ref, bs_ref, bt_ref, o_ref):
    dn = (((1,), (1,)), ((), ()))
    x = x_ref[...]
    base = lax.dot_general(x, wl_ref[...], dn, preferred_element_type=jnp.float32)
    cnt0 = jnp.sum(c0_ref[...], axis=1, keepdims=True)
    r0 = 0.5 / jnp.maximum(cnt0, 1.0)
    m0 = lax.dot_general(a0_ref[...].astype(jnp.float32) * r0, ws_ref[...], dn,
                         preferred_element_type=jnp.float32)
    cnt1 = jnp.sum(c1_ref[...], axis=1, keepdims=True)
    r1 = 0.5 / jnp.maximum(cnt1, 1.0)
    m1 = lax.dot_general(a1_ref[...].astype(jnp.float32) * r1, wt_ref[...], dn,
                         preferred_element_type=jnp.float32)
    bias = bl_ref[...] + 0.5 * (bs_ref[...] + bt_ref[...])
    o_ref[...] = base + m0 + m1 + bias


def kernel(x, edge_index, W_lin, b_lin, W_s2t, b_s2t, W_t2s, b_t2s):
    n, d = x.shape
    e = edge_index.shape[1]
    chunk = 80
    assert e % (N_TILES * chunk) == 0 and d == 128
    n_chunks = e // (N_TILES * chunk)
    assert n_chunks % 2 == 0

    eidx = edge_index.astype(jnp.int32).reshape(2, N_TILES, n_chunks, chunk)
    n_pad = ((n + 16 * N_TILES - 1) // (16 * N_TILES)) * (16 * N_TILES)
    zrows = jnp.zeros((n_pad // N_TILES, d), jnp.bfloat16)

    agg, cnts = _sc_aggregate(x.astype(jnp.bfloat16), eidx, zrows, n_pad=n_pad, chunk=chunk,
                              n_chunks=n_chunks)
    cnts = cnts.reshape(2, N_TILES, n_pad).transpose(0, 2, 1)

    blk = 2000
    grid = (n // blk,)
    out = pl.pallas_call(
        _tc_combine_body,
        grid=grid,
        in_specs=[
            pl.BlockSpec((blk, d), lambda i: (i, 0)),
            pl.BlockSpec((blk, d), lambda i: (i, 0)),
            pl.BlockSpec((blk, d), lambda i: (i, 0)),
            pl.BlockSpec((blk, N_TILES), lambda i: (i, 0)),
            pl.BlockSpec((blk, N_TILES), lambda i: (i, 0)),
            pl.BlockSpec((d, d), lambda i: (0, 0)),
            pl.BlockSpec((d, d), lambda i: (0, 0)),
            pl.BlockSpec((d, d), lambda i: (0, 0)),
            pl.BlockSpec((1, d), lambda i: (0, 0)),
            pl.BlockSpec((1, d), lambda i: (0, 0)),
            pl.BlockSpec((1, d), lambda i: (0, 0)),
        ],
        out_specs=pl.BlockSpec((blk, d), lambda i: (i, 0)),
        out_shape=jax.ShapeDtypeStruct((n, d), jnp.float32),
    )(x, agg[0], agg[1], cnts[0], cnts[1], W_lin, W_s2t, W_t2s,
      b_lin.reshape(1, d), b_s2t.reshape(1, d), b_t2s.reshape(1, d))
    return out

# --- scband reference (transcript-rebuilt; emitter-appended) ---
"""Pipeline reference for scband-dir-sage-conv-25829933318545 (READ-ONLY COPY).

The authoritative reference and input builder live on the scoring server;
editing this copy changes nothing except your own understanding.
"""

import jax, jax.numpy as jnp
import numpy as np

N = 10000
E = 320000
D_IN = 128
D_OUT = 128


def setup_inputs(seed: int = 0) -> dict:
    key = jax.random.key(seed)
    ks = jax.random.split(key, 8)
    x = jax.random.normal(ks[0], (N, D_IN), dtype=jnp.float32)
    edge_index = jax.random.randint(ks[1], (2, E), 0, N)
    # Learned parameters (torch Linear convention: W [out, in], b [out])
    lim_lin = 1.0 / np.sqrt(D_IN)
    W_lin = jax.random.uniform(ks[2], (D_OUT, D_IN), minval=-lim_lin, maxval=lim_lin, dtype=jnp.float32)
    b_lin = jax.random.uniform(ks[3], (D_OUT,), minval=-lim_lin, maxval=lim_lin, dtype=jnp.float32)
    # SAGEConv lin_l (aggregated-neighbor transform), root_weight=False so no lin_r
    W_s2t = jax.random.uniform(ks[4], (D_OUT, D_IN), minval=-lim_lin, maxval=lim_lin, dtype=jnp.float32)
    b_s2t = jnp.zeros((D_OUT,), dtype=jnp.float32)
    W_t2s = jax.random.uniform(ks[5], (D_OUT, D_IN), minval=-lim_lin, maxval=lim_lin, dtype=jnp.float32)
    b_t2s = jnp.zeros((D_OUT,), dtype=jnp.float32)
    return {"x": x, "edge_index": edge_index, "W_lin": W_lin, "b_lin": b_lin,
            "W_s2t": W_s2t, "b_s2t": b_s2t, "W_t2s": W_t2s, "b_t2s": b_t2s}


def _mean_aggr(feats, idx, num_nodes):
    s = jax.ops.segment_sum(feats, idx, num_segments=num_nodes)
    cnt = jax.ops.segment_sum(jnp.ones((idx.shape[0],), dtype=feats.dtype), idx, num_segments=num_nodes)
    return s / jnp.maximum(cnt, 1.0)[:, None]


def reference(x, edge_index, W_lin, b_lin, W_s2t, b_s2t, W_t2s, b_t2s):
    num_nodes = x.shape[0]
    src = edge_index[0]
    dst = edge_index[1]
    # SAGEConv flow='source_to_target', root_weight=False: mean over in-neighbors (gather at src, reduce at dst)
    agg_s2t = _mean_aggr(x[src], dst, num_nodes)
    s2t = agg_s2t @ W_s2t.T + b_s2t
    # SAGEConv flow='target_to_source': gather at dst, reduce at src
    agg_t2s = _mean_aggr(x[dst], src, num_nodes)
    t2s = agg_t2s @ W_t2s.T + b_t2s
    alpha = 0.5
    out = (x @ W_lin.T + b_lin) + (1.0 - alpha) * s2t + alpha * t2s
    return out

if __name__ == "__main__":
    import jax
    _d = setup_inputs()
    print(jax.jit(kernel)(*tuple(_d.values())))

</pallas_src>

<mosaic_0001>
#map = affine_map<(d0, d1) -> (0, 0)>
#map1 = affine_map<(d0, d1) -> (0, 0, 0, 0)>
#map2 = affine_map<(d0, d1) -> (0, 0, 0)>
#map3 = affine_map<(d0, d1) -> (0)>
module attributes {stable_mosaic.version = 14 : i64} {
  func.func @body(%arg0: i32, %arg1: i32, %arg2: memref<10000x128xbf16, #tpu.memory_space<hbm>>, %arg3: memref<2x16x250x80xi32, #tpu.memory_space<hbm>>, %arg4: memref<640x128xbf16, #tpu.memory_space<hbm>>, %arg5: memref<2x10240x128xbf16, #tpu.memory_space<hbm>>, %arg6: memref<327680xf32, #tpu.memory_space<hbm>>, %arg7: memref<250x80xi32, #tpu.memory_space<vmem>>, %arg8: memref<250x80xi32, #tpu.memory_space<vmem>>, %arg9: memref<80x128xbf16, #tpu.memory_space<vmem>>, %arg10: memref<80x128xbf16, #tpu.memory_space<vmem>>, %arg11: memref<10240xf32, #tpu.memory_space<vmem>>, %arg12: memref<10240x128xbf16, #tpu.memory_space<vmem_shared>>, %arg13: memref<!tpu.dma_semaphore, #tpu.memory_space<semaphore_mem>>, %arg14: memref<!tpu.dma_semaphore, #tpu.memory_space<semaphore_mem>>) attributes {dimension_semantics = [#tpu.dimension_semantics<core_parallel>, #tpu.dimension_semantics<subcore_parallel>], iteration_bounds = array<i64: 2, 16>, scalar_prefetch = 0 : i64, scratch_operands = 8 : i64, tpu.core_type = #tpu.core_type<sc_vector_subcore>, window_params = [{transform_indices = #map}, {transform_indices = #map1}, {transform_indices = #map}, {transform_indices = #map2}, {transform_indices = #map3}]} {
    %mul3A = arith.constant 640 : i32
    %mul3A_0 = arith.muli %arg1, %mul3A : i32
    "tpu.region"() ({
      %run_scoped3A = tpu.sem_alloc : memref<!tpu.dma_semaphore, #tpu.memory_space<semaphore_mem>>
      %dma_start3A_25 = arith.constant 0 : i32
      %dma_start3A_26 = tpu.memref_slice %arg12[%mul3A_0, %dma_start3A_25] : memref<10240x128xbf16, #tpu.memory_space<vmem_shared>> -> memref<640x128xbf16, #tpu.memory_space<vmem_shared>>
      tpu.enqueue_dma source(%arg4 : memref<640x128xbf16, #tpu.memory_space<hbm>>) target(%dma_start3A_26 : memref<640x128xbf16, #tpu.memory_space<vmem_shared>>) target_semaphore(%run_scoped3A : memref<!tpu.dma_semaphore, #tpu.memory_space<semaphore_mem>>)
      %dma_wait3A = arith.constant 0 : i32
      %dma_wait3A_27 = tpu.memref_slice %arg12[%mul3A_0, %dma_wait3A] : memref<10240x128xbf16, #tpu.memory_space<vmem_shared>> -> memref<640x128xbf16, #tpu.memory_space<vmem_shared>>
      tpu.wait_dma2 semaphore(%run_scoped3A : memref<!tpu.dma_semaphore, #tpu.memory_space<semaphore_mem>>) src(%arg4 : memref<640x128xbf16, #tpu.memory_space<hbm>>) dst(%dma_wait3A_27 : memref<640x128xbf16, #tpu.memory_space<vmem_shared>>)
      tpu.yield
    }) : () -> ()
    "tpu.region"() ({
      %run_scoped3A = tpu.sem_alloc : memref<!tpu.dma_semaphore, #tpu.memory_space<semaphore_mem>>
      %dma_start3A_25 = arith.constant 0 : i32
      %dma_start3A_26 = arith.constant 0 : i32
      %dma_start3A_27 = tpu.memref_slice %arg3[%arg0, %arg1, %dma_start3A_25, %dma_start3A_26] : memref<2x16x250x80xi32, #tpu.memory_space<hbm>> -> memref<1x1x250x80xi32, #tpu.memory_space<hbm>>
      %dma_start3A_28 = tpu.memref_squeeze %dma_start3A_27 : memref<1x1x250x80xi32, #tpu.memory_space<hbm>> -> memref<250x80xi32, #tpu.memory_space<hbm>>
      %dma_start3A_29 = arith.constant 0 : i32
      %dma_start3A_30 = arith.constant 0 : i32
      %dma_start3A_31 = tpu.memref_slice %arg3[%arg0, %arg1, %dma_start3A_29, %dma_start3A_30] : memref<2x16x250x80xi32, #tpu.memory_space<hbm>> -> memref<1x1x250x80xi32, #tpu.memory_space<hbm>>
      %dma_start3A_32 = tpu.memref_squeeze %dma_start3A_31 : memref<1x1x250x80xi32, #tpu.memory_space<hbm>> -> memref<250x80xi32, #tpu.memory_space<hbm>>
      tpu.enqueue_dma source(%dma_start3A_32 : memref<250x80xi32, #tpu.memory_space<hbm>>) target(%arg7 : memref<250x80xi32, #tpu.memory_space<vmem>>) target_semaphore(%run_scoped3A : memref<!tpu.dma_semaphore, #tpu.memory_space<semaphore_mem>>)
      %dma_wait3A = arith.constant 0 : i32
      %dma_wait3A_33 = arith.constant 0 : i32
      %dma_wait3A_34 = tpu.memref_slice %arg3[%arg0, %arg1, %dma_wait3A, %dma_wait3A_33] : memref<2x16x250x80xi32, #tpu.memory_space<hbm>> -> memref<1x1x250x80xi32, #tpu.memory_space<hbm>>
      %dma_wait3A_35 = tpu.memref_squeeze %dma_wait3A_34 : memref<1x1x250x80xi32, #tpu.memory_space<hbm>> -> memref<250x80xi32, #tpu.memory_space<hbm>>
      %dma_wait3A_36 = arith.constant 0 : i32
      %dma_wait3A_37 = arith.constant 0 : i32
      %dma_wait3A_38 = tpu.memref_slice %arg3[%arg0, %arg1, %dma_wait3A_36, %dma_wait3A_37] : memref<2x16x250x80xi32, #tpu.memory_space<hbm>> -> memref<1x1x250x80xi32, #tpu.memory_space<hbm>>
      %dma_wait3A_39 = tpu.memref_squeeze %dma_wait3A_38 : memref<1x1x250x80xi32, #tpu.memory_space<hbm>> -> memref<250x80xi32, #tpu.memory_space<hbm>>
      tpu.wait_dma2 semaphore(%run_scoped3A : memref<!tpu.dma_semaphore, #tpu.memory_space<semaphore_mem>>) src(%dma_wait3A_39 : memref<250x80xi32, #tpu.memory_space<hbm>>) dst(%arg7 : memref<250x80xi32, #tpu.memory_space<vmem>>)
      tpu.yield
    }) : () -> ()
    %sub3A = arith.constant 1 : i32
    %sub3A_1 = arith.subi %sub3A, %arg0 : i32
    "tpu.region"() ({
      %run_scoped3A = tpu.sem_alloc : memref<!tpu.dma_semaphore, #tpu.memory_space<semaphore_mem>>
      %dma_start3A_25 = arith.constant 0 : i32
      %dma_start3A_26 = arith.constant 0 : i32
      %dma_start3A_27 = tpu.memref_slice %arg3[%sub3A_1, %arg1, %dma_start3A_25, %dma_start3A_26] : memref<2x16x250x80xi32, #tpu.memory_space<hbm>> -> memref<1x1x250x80xi32, #tpu.memory_space<hbm>>
      %dma_start3A_28 = tpu.memref_squeeze %dma_start3A_27 : memref<1x1x250x80xi32, #tpu.memory_space<hbm>> -> memref<250x80xi32, #tpu.memory_space<hbm>>
      %dma_start3A_29 = arith.constant 0 : i32
      %dma_start3A_30 = arith.constant 0 : i32
      %dma_start3A_31 = tpu.memref_slice %arg3[%sub3A_1, %arg1, %dma_start3A_29, %dma_start3A_30] : memref<2x16x250x80xi32, #tpu.memory_space<hbm>> -> memref<1x1x250x80xi32, #tpu.memory_space<hbm>>
      %dma_start3A_32 = tpu.memref_squeeze %dma_start3A_31 : memref<1x1x250x80xi32, #tpu.memory_space<hbm>> -> memref<250x80xi32, #tpu.memory_space<hbm>>
      tpu.enqueue_dma source(%dma_start3A_32 : memref<250x80xi32, #tpu.memory_space<hbm>>) target(%arg8 : memref<250x80xi32, #tpu.memory_space<vmem>>) target_semaphore(%run_scoped3A : memref<!tpu.dma_semaphore, #tpu.memory_space<semaphore_mem>>)
      %dma_wait3A = arith.constant 0 : i32
      %dma_wait3A_33 = arith.constant 0 : i32
      %dma_wait3A_34 = tpu.memref_slice %arg3[%sub3A_1, %arg1, %dma_wait3A, %dma_wait3A_33] : memref<2x16x250x80xi32, #tpu.memory_space<hbm>> -> memref<1x1x250x80xi32, #tpu.memory_space<hbm>>
      %dma_wait3A_35 = tpu.memref_squeeze %dma_wait3A_34 : memref<1x1x250x80xi32, #tpu.memory_space<hbm>> -> memref<250x80xi32, #tpu.memory_space<hbm>>
      %dma_wait3A_36 = arith.constant 0 : i32
      %dma_wait3A_37 = arith.constant 0 : i32
      %dma_wait3A_38 = tpu.memref_slice %arg3[%sub3A_1, %arg1, %dma_wait3A_36, %dma_wait3A_37] : memref<2x16x250x80xi32, #tpu.memory_space<hbm>> -> memref<1x1x250x80xi32, #tpu.memory_space<hbm>>
      %dma_wait3A_39 = tpu.memref_squeeze %dma_wait3A_38 : memref<1x1x250x80xi32, #tpu.memory_space<hbm>> -> memref<250x80xi32, #tpu.memory_space<hbm>>
      tpu.wait_dma2 semaphore(%run_scoped3A : memref<!tpu.dma_semaphore, #tpu.memory_space<semaphore_mem>>) src(%dma_wait3A_39 : memref<250x80xi32, #tpu.memory_space<hbm>>) dst(%arg8 : memref<250x80xi32, #tpu.memory_space<vmem>>)
      tpu.yield
    }) : () -> ()
    %broadcast_in_dim3A = arith.constant 0.000000e+00 : f32
    %broadcast_in_dim3A_2 = vector.broadcast %broadcast_in_dim3A : f32 to vector<16xf32>
    %scan3A = arith.constant 0 : i32
    %scan3A_3 = arith.constant 640 : i32
    %scan3A_4 = arith.addi %scan3A, %scan3A_3 : i32
    %scan3A_5 = arith.constant 1 : i32
    scf.for %scan3A_25 = %scan3A to %scan3A_4 step %scan3A_5  : i32 {
      %mul3A_26 = arith.constant 1 : i32
      %mul3A_27 = arith.muli %scan3A_25, %mul3A_26 : i32
      %add3A_28 = arith.constant 0 : i32
      %add3A_29 = arith.addi %add3A_28, %mul3A_27 : i32
      %mul3A_30 = arith.constant 16 : i32
      %mul3A_31 = arith.muli %add3A_29, %mul3A_30 : i32
      %swap3A = arith.index_cast %mul3A_31 : i32 to index
      %swap3A_32 = tpu.vector_load %arg11[%swap3A] {strides = array<i32>} : memref<10240xf32, #tpu.memory_space<vmem>>, vector<16xf32>,
      tpu.vector_store %arg11[%swap3A], %broadcast_in_dim3A_2 {strides = array<i32>} : memref<10240xf32, #tpu.memory_space<vmem>>, vector<16xf32>,
    }
    %scan3A_6 = arith.constant 640 : i32
    %barrier3A = arith.constant 0 : index
    tpu.barrier barrier_id(%barrier3A)
    %broadcast_in_dim3A_7 = arith.constant 1.000000e+00 : f32
    %broadcast_in_dim3A_8 = vector.broadcast %broadcast_in_dim3A_7 : f32 to vector<16xf32>
    %dma_start3A = arith.constant 0 : i32
    %dma_start3A_9 = arith.constant 0 : i32
    %dma_start3A_10 = tpu.memref_slice %arg7[%dma_start3A, %dma_start3A_9] : memref<250x80xi32, #tpu.memory_space<vmem>> -> memref<1x80xi32, #tpu.memory_space<vmem>>
    %dma_start3A_11 = tpu.memref_squeeze %dma_start3A_10 : memref<1x80xi32, #tpu.memory_space<vmem>> -> memref<80xi32, #tpu.memory_space<vmem>>
    %dma_start3A_12 = arith.constant 0 : i32
    %dma_start3A_13 = arith.constant 0 : i32
    %dma_start3A_14 = tpu.memref_slice %arg2[%dma_start3A_12, %dma_start3A_13] : memref<10000x128xbf16, #tpu.memory_space<hbm>> -> memref<10000x128xbf16, #tpu.memory_space<hbm>>
    tpu.enqueue_indirect_dma source(%dma_start3A_14 : memref<10000x128xbf16, #tpu.memory_space<hbm>>) target(%arg9 : memref<80x128xbf16, #tpu.memory_space<vmem>>) offsets(%dma_start3A_11 : memref<80xi32, #tpu.memory_space<vmem>>) semaphore(%arg13 : memref<!tpu.dma_semaphore, #tpu.memory_space<semaphore_mem>>)
    %scan3A_15 = arith.constant 0 : i32
    %scan3A_16 = arith.constant 125 : i32
    %scan3A_17 = arith.addi %scan3A_15, %scan3A_16 : i32
    %scan3A_18 = arith.constant 1 : i32
    scf.for %scan3A_25 = %scan3A_15 to %scan3A_17 step %scan3A_18  : i32 {
      %mul3A_26 = arith.constant 2 : i32
      %mul3A_27 = arith.muli %scan3A_25, %mul3A_26 : i32
      %add3A_28 = arith.constant 0 : i32
      %add3A_29 = arith.addi %add3A_28, %mul3A_27 : i32
      %add3A_30 = arith.constant 1 : i32
      %add3A_31 = arith.addi %add3A_29, %add3A_30 : i32
      %dma_start3A_32 = arith.constant 0 : i32
      %dma_start3A_33 = tpu.memref_slice %arg7[%add3A_31, %dma_start3A_32] : memref<250x80xi32, #tpu.memory_space<vmem>> -> memref<1x80xi32, #tpu.memory_space<vmem>>
      %dma_start3A_34 = tpu.memref_squeeze %dma_start3A_33 : memref<1x80xi32, #tpu.memory_space<vmem>> -> memref<80xi32, #tpu.memory_space<vmem>>
      %dma_start3A_35 = arith.constant 0 : i32
      %dma_start3A_36 = arith.constant 0 : i32
      %dma_start3A_37 = tpu.memref_slice %arg2[%dma_start3A_35, %dma_start3A_36] : memref<10000x128xbf16, #tpu.memory_space<hbm>> -> memref<10000x128xbf16, #tpu.memory_space<hbm>>
      tpu.enqueue_indirect_dma source(%dma_start3A_37 : memref<10000x128xbf16, #tpu.memory_space<hbm>>) target(%arg10 : memref<80x128xbf16, #tpu.memory_space<vmem>>) offsets(%dma_start3A_34 : memref<80xi32, #tpu.memory_space<vmem>>) semaphore(%arg14 : memref<!tpu.dma_semaphore, #tpu.memory_space<semaphore_mem>>)
      %scan3A_38 = arith.constant 0 : i32
      %scan3A_39 = arith.constant 5 : i32
      %scan3A_40 = arith.addi %scan3A_38, %scan3A_39 : i32
      %scan3A_41 = arith.constant 1 : i32
      scf.for %scan3A_65 = %scan3A_38 to %scan3A_40 step %scan3A_41  : i32 {
        %mul3A_66 = arith.constant 1 : i32
        %mul3A_67 = arith.muli %scan3A_65, %mul3A_66 : i32
        %add3A_68 = arith.constant 0 : i32
        %add3A_69 = arith.addi %add3A_68, %mul3A_67 : i32
        %mul3A_70 = arith.constant 16 : i32
        %mul3A_71 = arith.muli %add3A_69, %mul3A_70 : i32
        %get3A = arith.index_cast %add3A_29 : i32 to index
        %get3A_72 = arith.index_cast %mul3A_71 : i32 to index
        %get3A_73 = tpu.vector_load %arg8[%get3A, %get3A_72] {strides = array<i32>} : memref<250x80xi32, #tpu.memory_space<vmem>>, vector<16xi32>,
        tpu.vector_store_idx %arg11[%get3A_73], %broadcast_in_dim3A_8 {add = true} : memref<10240xf32, #tpu.memory_space<vmem>>[vector<16xi32>], vector<16xf32>,
      }
      %scan3A_42 = arith.constant 5 : i32
      %dma_wait3A = arith.constant 0 : i32
      %dma_wait3A_43 = arith.constant 0 : i32
      %dma_wait3A_44 = tpu.memref_slice %arg2[%dma_wait3A, %dma_wait3A_43] : memref<10000x128xbf16, #tpu.memory_space<hbm>> -> memref<80x128xbf16, #tpu.memory_space<hbm>>
      %dma_wait3A_45 = arith.constant 0 : i32
      %dma_wait3A_46 = arith.constant 0 : i32
      %dma_wait3A_47 = tpu.memref_slice %arg2[%dma_wait3A_45, %dma_wait3A_46] : memref<10000x128xbf16, #tpu.memory_space<hbm>> -> memref<80x128xbf16, #tpu.memory_space<hbm>>
      tpu.wait_dma2 semaphore(%arg13 : memref<!tpu.dma_semaphore, #tpu.memory_space<semaphore_mem>>) src(%dma_wait3A_47 : memref<80x128xbf16, #tpu.memory_space<hbm>>) dst(%arg9 : memref<80x128xbf16, #tpu.memory_space<vmem>>)
      "tpu.region"() ({
        %run_scoped3A = tpu.sem_alloc : memref<!tpu.dma_semaphore, #tpu.memory_space<semaphore_mem>>
        %dma_start3A_65 = arith.constant 0 : i32
        %dma_start3A_66 = tpu.memref_slice %arg8[%add3A_29, %dma_start3A_65] : memref<250x80xi32, #tpu.memory_space<vmem>> -> memref<1x80xi32, #tpu.memory_space<vmem>>
        %dma_start3A_67 = tpu.memref_squeeze %dma_start3A_66 : memref<1x80xi32, #tpu.memory_space<vmem>> -> memref<80xi32, #tpu.memory_space<vmem>>
        %dma_start3A_68 = arith.constant 0 : i32
        %dma_start3A_69 = arith.constant 0 : i32
        %dma_start3A_70 = tpu.memref_slice %arg12[%dma_start3A_68, %dma_start3A_69] : memref<10240x128xbf16, #tpu.memory_space<vmem_shared>> -> memref<10240x128xbf16, #tpu.memory_space<vmem_shared>>
        tpu.enqueue_indirect_dma source(%arg9 : memref<80x128xbf16, #tpu.memory_space<vmem>>) target(%dma_start3A_70 : memref<10240x128xbf16, #tpu.memory_space<vmem_shared>>) offsets(%dma_start3A_67 : memref<80xi32, #tpu.memory_space<vmem>>) semaphore(%run_scoped3A : memref<!tpu.dma_semaphore, #tpu.memory_space<semaphore_mem>>) {add = true}
        %dma_wait3A_71 = arith.constant 0 : i32
        %dma_wait3A_72 = tpu.memref_slice %arg8[%add3A_29, %dma_wait3A_71] : memref<250x80xi32, #tpu.memory_space<vmem>> -> memref<1x80xi32, #tpu.memory_space<vmem>>
        %dma_wait3A_73 = tpu.memref_squeeze %dma_wait3A_72 : memref<1x80xi32, #tpu.memory_space<vmem>> -> memref<80xi32, #tpu.memory_space<vmem>>
        %dma_wait3A_74 = arith.constant 0 : i32
        %dma_wait3A_75 = arith.constant 0 : i32
        %dma_wait3A_76 = tpu.memref_slice %arg12[%dma_wait3A_74, %dma_wait3A_75] : memref<10240x128xbf16, #tpu.memory_space<vmem_shared>> -> memref<10240x128xbf16, #tpu.memory_space<vmem_shared>>
        tpu.wait_indirect_dma semaphore(%run_scoped3A : memref<!tpu.dma_semaphore, #tpu.memory_space<semaphore_mem>>) src(%arg9 : memref<80x128xbf16, #tpu.memory_space<vmem>>) dst(%dma_wait3A_76 : memref<10240x128xbf16, #tpu.memory_space<vmem_shared>>)
        tpu.yield
      }) : () -> ()
      %add3A_48 = arith.constant 2 : i32
      %add3A_49 = arith.addi %add3A_29, %add3A_48 : i32
      %lt3A = arith.constant 250 : i32
      %lt3A_50 = arith.cmpi slt, %add3A_49, %lt3A : i32
      %convert_element_type3A = arith.extui %lt3A_50 : i1 to i32
      %cond3A = arith.constant 0 : i32
      %cond3A_51 = arith.cmpi ne, %convert_element_type3A, %cond3A : i32
      scf.if %cond3A_51 {
        %add3A_65 = arith.constant 2 : i32
        %add3A_66 = arith.addi %add3A_29, %add3A_65 : i32
        %dma_start3A_67 = arith.constant 0 : i32
        %dma_start3A_68 = tpu.memref_slice %arg7[%add3A_66, %dma_start3A_67] : memref<250x80xi32, #tpu.memory_space<vmem>> -> memref<1x80xi32, #tpu.memory_space<vmem>>
        %dma_start3A_69 = tpu.memref_squeeze %dma_start3A_68 : memref<1x80xi32, #tpu.memory_space<vmem>> -> memref<80xi32, #tpu.memory_space<vmem>>
        %dma_start3A_70 = arith.constant 0 : i32
        %dma_start3A_71 = arith.constant 0 : i32
        %dma_start3A_72 = tpu.memref_slice %arg2[%dma_start3A_70, %dma_start3A_71] : memref<10000x128xbf16, #tpu.memory_space<hbm>> -> memref<10000x128xbf16, #tpu.memory_space<hbm>>
        tpu.enqueue_indirect_dma source(%dma_start3A_72 : memref<10000x128xbf16, #tpu.memory_space<hbm>>) target(%arg9 : memref<80x128xbf16, #tpu.memory_space<vmem>>) offsets(%dma_start3A_69 : memref<80xi32, #tpu.memory_space<vmem>>) semaphore(%arg13 : memref<!tpu.dma_semaphore, #tpu.memory_space<semaphore_mem>>)
      } else {
      }
      %scan3A_52 = arith.constant 0 : i32
      %scan3A_53 = arith.constant 5 : i32
      %scan3A_54 = arith.addi %scan3A_52, %scan3A_53 : i32
      %scan3A_55 = arith.constant 1 : i32
      scf.for %scan3A_65 = %scan3A_52 to %scan3A_54 step %scan3A_55  : i32 {
        %mul3A_66 = arith.constant 1 : i32
        %mul3A_67 = arith.muli %scan3A_65, %mul3A_66 : i32
        %add3A_68 = arith.constant 0 : i32
        %add3A_69 = arith.addi %add3A_68, %mul3A_67 : i32
        %add3A_70 = arith.constant 1 : i32
        %add3A_71 = arith.addi %add3A_29, %add3A_70 : i32
        %mul3A_72 = arith.constant 16 : i32
        %mul3A_73 = arith.muli %add3A_69, %mul3A_72 : i32
        %get3A = arith.index_cast %add3A_71 : i32 to index
        %get3A_74 = arith.index_cast %mul3A_73 : i32 to index
        %get3A_75 = tpu.vector_load %arg8[%get3A, %get3A_74] {strides = array<i32>} : memref<250x80xi32, #tpu.memory_space<vmem>>, vector<16xi32>,
        tpu.vector_store_idx %arg11[%get3A_75], %broadcast_in_dim3A_8 {add = true} : memref<10240xf32, #tpu.memory_space<vmem>>[vector<16xi32>], vector<16xf32>,
      }
      %scan3A_56 = arith.constant 5 : i32
      %dma_wait3A_57 = arith.constant 0 : i32
      %dma_wait3A_58 = tpu.memref_slice %arg7[%add3A_31, %dma_wait3A_57] : memref<250x80xi32, #tpu.memory_space<vmem>> -> memref<1x80xi32, #tpu.memory_space<vmem>>
      %dma_wait3A_59 = tpu.memref_squeeze %dma_wait3A_58 : memref<1x80xi32, #tpu.memory_space<vmem>> -> memref<80xi32, #tpu.memory_space<vmem>>
      %dma_wait3A_60 = arith.constant 0 : i32
      %dma_wait3A_61 = arith.constant 0 : i32
      %dma_wait3A_62 = tpu.memref_slice %arg2[%dma_wait3A_60, %dma_wait3A_61] : memref<10000x128xbf16, #tpu.memory_space<hbm>> -> memref<10000x128xbf16, #tpu.memory_space<hbm>>
      tpu.wait_indirect_dma semaphore(%arg14 : memref<!tpu.dma_semaphore, #tpu.memory_space<semaphore_mem>>) src(%dma_wait3A_62 : memref<10000x128xbf16, #tpu.memory_space<hbm>>) dst(%arg10 : memref<80x128xbf16, #tpu.memory_space<vmem>>)
      %add3A_63 = arith.constant 1 : i32
      %add3A_64 = arith.addi %add3A_29, %add3A_63 : i32
      "tpu.region"() ({
        %run_scoped3A = tpu.sem_alloc : memref<!tpu.dma_semaphore, #tpu.memory_space<semaphore_mem>>
        %dma_start3A_65 = arith.constant 0 : i32
        %dma_start3A_66 = tpu.memref_slice %arg8[%add3A_64, %dma_start3A_65] : memref<250x80xi32, #tpu.memory_space<vmem>> -> memref<1x80xi32, #tpu.memory_space<vmem>>
        %dma_start3A_67 = tpu.memref_squeeze %dma_start3A_66 : memref<1x80xi32, #tpu.memory_space<vmem>> -> memref<80xi32, #tpu.memory_space<vmem>>
        %dma_start3A_68 = arith.constant 0 : i32
        %dma_start3A_69 = arith.constant 0 : i32
        %dma_start3A_70 = tpu.memref_slice %arg12[%dma_start3A_68, %dma_start3A_69] : memref<10240x128xbf16, #tpu.memory_space<vmem_shared>> -> memref<10240x128xbf16, #tpu.memory_space<vmem_shared>>
        tpu.enqueue_indirect_dma source(%arg10 : memref<80x128xbf16, #tpu.memory_space<vmem>>) target(%dma_start3A_70 : memref<10240x128xbf16, #tpu.memory_space<vmem_shared>>) offsets(%dma_start3A_67 : memref<80xi32, #tpu.memory_space<vmem>>) semaphore(%run_scoped3A : memref<!tpu.dma_semaphore, #tpu.memory_space<semaphore_mem>>) {add = true}
        %dma_wait3A_71 = arith.constant 0 : i32
        %dma_wait3A_72 = tpu.memref_slice %arg8[%add3A_64, %dma_wait3A_71] : memref<250x80xi32, #tpu.memory_space<vmem>> -> memref<1x80xi32, #tpu.memory_space<vmem>>
        %dma_wait3A_73 = tpu.memref_squeeze %dma_wait3A_72 : memref<1x80xi32, #tpu.memory_space<vmem>> -> memref<80xi32, #tpu.memory_space<vmem>>
        %dma_wait3A_74 = arith.constant 0 : i32
        %dma_wait3A_75 = arith.constant 0 : i32
        %dma_wait3A_76 = tpu.memref_slice %arg12[%dma_wait3A_74, %dma_wait3A_75] : memref<10240x128xbf16, #tpu.memory_space<vmem_shared>> -> memref<10240x128xbf16, #tpu.memory_space<vmem_shared>>
        tpu.wait_indirect_dma semaphore(%run_scoped3A : memref<!tpu.dma_semaphore, #tpu.memory_space<semaphore_mem>>) src(%arg10 : memref<80x128xbf16, #tpu.memory_space<vmem>>) dst(%dma_wait3A_76 : memref<10240x128xbf16, #tpu.memory_space<vmem_shared>>)
        tpu.yield
      }) : () -> ()
    }
    %scan3A_19 = arith.constant 125 : i32
    %mul3A_20 = arith.constant 16 : i32
    %mul3A_21 = arith.muli %arg0, %mul3A_20 : i32
    %add3A = arith.addi %mul3A_21, %arg1 : i32
    %mul3A_22 = arith.constant 10240 : i32
    %mul3A_23 = arith.muli %add3A, %mul3A_22 : i32
    "tpu.region"() ({
      %run_scoped3A = tpu.sem_alloc : memref<!tpu.dma_semaphore, #tpu.memory_space<semaphore_mem>>
      %dma_start3A_25 = tpu.memref_slice %arg6[%mul3A_23] : memref<327680xf32, #tpu.memory_space<hbm>> -> memref<10240xf32, #tpu.memory_space<hbm>>
      %dma_start3A_26 = tpu.memref_slice %arg6[%mul3A_23] : memref<327680xf32, #tpu.memory_space<hbm>> -> memref<10240xf32, #tpu.memory_space<hbm>>
      tpu.enqueue_dma source(%arg11 : memref<10240xf32, #tpu.memory_space<vmem>>) target(%dma_start3A_26 : memref<10240xf32, #tpu.memory_space<hbm>>) target_semaphore(%run_scoped3A : memref<!tpu.dma_semaphore, #tpu.memory_space<semaphore_mem>>)
      %dma_wait3A = tpu.memref_slice %arg6[%mul3A_23] : memref<327680xf32, #tpu.memory_space<hbm>> -> memref<10240xf32, #tpu.memory_space<hbm>>
      %dma_wait3A_27 = tpu.memref_slice %arg6[%mul3A_23] : memref<327680xf32, #tpu.memory_space<hbm>> -> memref<10240xf32, #tpu.memory_space<hbm>>
      tpu.wait_dma2 semaphore(%run_scoped3A : memref<!tpu.dma_semaphore, #tpu.memory_space<semaphore_mem>>) src(%arg11 : memref<10240xf32, #tpu.memory_space<vmem>>) dst(%dma_wait3A_27 : memref<10240xf32, #tpu.memory_space<hbm>>)
      tpu.yield
    }) : () -> ()
    %barrier3A_24 = arith.constant 0 : index
    tpu.barrier barrier_id(%barrier3A_24)
    "tpu.region"() ({
      %run_scoped3A = tpu.sem_alloc : memref<!tpu.dma_semaphore, #tpu.memory_space<semaphore_mem>>
      %dma_start3A_25 = arith.constant 0 : i32
      %dma_start3A_26 = tpu.memref_slice %arg5[%arg0, %mul3A_0, %dma_start3A_25] : memref<2x10240x128xbf16, #tpu.memory_space<hbm>> -> memref<1x640x128xbf16, #tpu.memory_space<hbm>>
      %dma_start3A_27 = tpu.memref_squeeze %dma_start3A_26 : memref<1x640x128xbf16, #tpu.memory_space<hbm>> -> memref<640x128xbf16, #tpu.memory_space<hbm>>
      %dma_start3A_28 = arith.constant 0 : i32
      %dma_start3A_29 = tpu.memref_slice %arg12[%mul3A_0, %dma_start3A_28] : memref<10240x128xbf16, #tpu.memory_space<vmem_shared>> -> memref<640x128xbf16, #tpu.memory_space<vmem_shared>>
      tpu.enqueue_dma source(%dma_start3A_29 : memref<640x128xbf16, #tpu.memory_space<vmem_shared>>) target(%dma_start3A_27 : memref<640x128xbf16, #tpu.memory_space<hbm>>) target_semaphore(%run_scoped3A : memref<!tpu.dma_semaphore, #tpu.memory_space<semaphore_mem>>)
      %dma_wait3A = arith.constant 0 : i32
      %dma_wait3A_30 = tpu.memref_slice %arg5[%arg0, %mul3A_0, %dma_wait3A] : memref<2x10240x128xbf16, #tpu.memory_space<hbm>> -> memref<1x640x128xbf16, #tpu.memory_space<hbm>>
      %dma_wait3A_31 = tpu.memref_squeeze %dma_wait3A_30 : memref<1x640x128xbf16, #tpu.memory_space<hbm>> -> memref<640x128xbf16, #tpu.memory_space<hbm>>
      %dma_wait3A_32 = arith.constant 0 : i32
      %dma_wait3A_33 = tpu.memref_slice %arg12[%mul3A_0, %dma_wait3A_32] : memref<10240x128xbf16, #tpu.memory_space<vmem_shared>> -> memref<640x128xbf16, #tpu.memory_space<vmem_shared>>
      tpu.wait_dma2 semaphore(%run_scoped3A : memref<!tpu.dma_semaphore, #tpu.memory_space<semaphore_mem>>) src(%dma_wait3A_33 : memref<640x128xbf16, #tpu.memory_space<vmem_shared>>) dst(%dma_wait3A_31 : memref<640x128xbf16, #tpu.memory_space<hbm>>)
      tpu.yield
    }) : () -> ()
    return
  }
}

module attributes {stable_mosaic.version = 14 : i64} {
  func.func @_tc_combine_body(%arg0: i32, %arg1: memref<2000x128xf32, #tpu.memory_space<vmem>>, %arg2: memref<2000x128xbf16, #tpu.memory_space<vmem>>, %arg3: memref<2000x128xbf16, #tpu.memory_space<vmem>>, %arg4: memref<2000x16xf32, #tpu.memory_space<vmem>>, %arg5: memref<2000x16xf32, #tpu.memory_space<vmem>>, %arg6: memref<128x128xf32, #tpu.memory_space<vmem>>, %arg7: memref<128x128xf32, #tpu.memory_space<vmem>>, %arg8: memref<128x128xf32, #tpu.memory_space<vmem>>, %arg9: memref<1x128xf32, #tpu.memory_space<vmem>>, %arg10: memref<1x128xf32, #tpu.memory_space<vmem>>, %arg11: memref<1x128xf32, #tpu.memory_space<vmem>>, %arg12: memref<2000x128xf32, #tpu.memory_space<vmem>>) attributes {dimension_semantics = [#tpu.dimension_semantics<arbitrary>], iteration_bounds = array<i64: 5>, scalar_prefetch = 0 : i64, scratch_operands = 0 : i64, tpu.core_type = #tpu.core_type<tc>, window_params = [{transform_indices = @transform_0, window_bounds = array<i64: 2000, 128>}, {transform_indices = @transform_1, window_bounds = array<i64: 2000, 128>}, {transform_indices = @transform_2, window_bounds = array<i64: 2000, 128>}, {transform_indices = @transform_3, window_bounds = array<i64: 2000, 16>}, {transform_indices = @transform_4, window_bounds = array<i64: 2000, 16>}, {pipeline_mode = #tpu.pipeline_mode<synchronous>, transform_indices = @transform_5, window_bounds = array<i64: 128, 128>}, {pipeline_mode = #tpu.pipeline_mode<synchronous>, transform_indices = @transform_6, window_bounds = array<i64: 128, 128>}, {pipeline_mode = #tpu.pipeline_mode<synchronous>, transform_indices = @transform_7, window_bounds = array<i64: 128, 128>}, {pipeline_mode = #tpu.pipeline_mode<synchronous>, transform_indices = @transform_8, window_bounds = array<i64: 1, 128>}, {pipeline_mode = #tpu.pipeline_mode<synchronous>, transform_indices = @transform_9, window_bounds = array<i64: 1, 128>}, {pipeline_mode = #tpu.pipeline_mode<synchronous>, transform_indices = @transform_10, window_bounds = array<i64: 1, 128>}, {transform_indices = @transform_11, window_bounds = array<i64: 2000, 128>}]} {
    %get3A = arith.constant 0 : index
    %get3A_0 = arith.constant 0 : index
    %get3A_1 = vector.load %arg1[%get3A, %get3A_0] : memref<2000x128xf32, #tpu.memory_space<vmem>>, vector<2000x128xf32>
    %get3A_2 = arith.constant 0 : index
    %get3A_3 = arith.constant 0 : index
    %get3A_4 = vector.load %arg6[%get3A_2, %get3A_3] : memref<128x128xf32, #tpu.memory_space<vmem>>, vector<128x128xf32>
    %dot_general3A = arith.constant dense<0.000000e+00> : vector<2000x128xf32>
    %dot_general3A_5 = tpu.matmul %get3A_1, %get3A_4, %dot_general3A {dimension_numbers = #tpu.dot_dimension_numbers<[1], [1], [0], [0], [0, 0, 1, 0], [], []>, transpose_lhs_hint = false} : vector<2000x128xf32>, vector<128x128xf32>, vector<2000x128xf32> -> vector<2000x128xf32>
    %get3A_6 = arith.constant 0 : index
    %get3A_7 = arith.constant 0 : index
    %get3A_8 = vector.load %arg4[%get3A_6, %get3A_7] : memref<2000x16xf32, #tpu.memory_space<vmem>>, vector<2000x16xf32>
    %reduce_sum3A = arith.constant dense<0.000000e+00> : vector<2000xf32>
    %reduce_sum3A_9 = vector.multi_reduction <add>, %get3A_8, %reduce_sum3A [1] : vector<2000x16xf32> to vector<2000xf32>
    %broadcast_in_dim3A = vector.shape_cast %reduce_sum3A_9 : vector<2000xf32> to vector<2000x1xf32>
    %max3A = arith.constant 1.000000e+00 : f32
    %max3A_10 = vector.broadcast %max3A : f32 to vector<2000x1xf32>
    %max3A_11 = arith.maximumf %broadcast_in_dim3A, %max3A_10 : vector<2000x1xf32>
    %div3A = arith.constant 5.000000e-01 : f32
    %div3A_12 = vector.broadcast %div3A : f32 to vector<2000x1xf32>
    %div3A_13 = arith.divf %div3A_12, %max3A_11 : vector<2000x1xf32>
    %get3A_14 = arith.constant 0 : index
    %get3A_15 = arith.constant 0 : index
    %get3A_16 = vector.load %arg2[%get3A_14, %get3A_15] : memref<2000x128xbf16, #tpu.memory_space<vmem>>, vector<2000x128xbf16>
    %convert_element_type3A = arith.extf %get3A_16 : vector<2000x128xbf16> to vector<2000x128xf32>
    %mul3A = vector.broadcast %div3A_13 : vector<2000x1xf32> to vector<2000x128xf32>
    %mul3A_17 = arith.mulf %convert_element_type3A, %mul3A : vector<2000x128xf32>
    %get3A_18 = arith.constant 0 : index
    %get3A_19 = arith.constant 0 : index
    %get3A_20 = vector.load %arg7[%get3A_18, %get3A_19] : memref<128x128xf32, #tpu.memory_space<vmem>>, vector<128x128xf32>
    %dot_general3A_21 = arith.constant dense<0.000000e+00> : vector<2000x128xf32>
    %dot_general3A_22 = tpu.matmul %mul3A_17, %get3A_20, %dot_general3A_21 {dimension_numbers = #tpu.dot_dimension_numbers<[1], [1], [0], [0], [0, 0, 1, 0], [], []>, transpose_lhs_hint = false} : vector<2000x128xf32>, vector<128x128xf32>, vector<2000x128xf32> -> vector<2000x128xf32>
    %get3A_23 = arith.constant 0 : index
    %get3A_24 = arith.constant 0 : index
    %get3A_25 = vector.load %arg5[%get3A_23, %get3A_24] : memref<2000x16xf32, #tpu.memory_space<vmem>>, vector<2000x16xf32>
    %reduce_sum3A_26 = arith.constant dense<0.000000e+00> : vector<2000xf32>
    %reduce_sum3A_27 = vector.multi_reduction <add>, %get3A_25, %reduce_sum3A_26 [1] : vector<2000x16xf32> to vector<2000xf32>
    %broadcast_in_dim3A_28 = vector.shape_cast %reduce_sum3A_27 : vector<2000xf32> to vector<2000x1xf32>
    %max3A_29 = arith.constant 1.000000e+00 : f32
    %max3A_30 = vector.broadcast %max3A_29 : f32 to vector<2000x1xf32>
    %max3A_31 = arith.maximumf %broadcast_in_dim3A_28, %max3A_30 : vector<2000x1xf32>
    %div3A_32 = arith.constant 5.000000e-01 : f32
    %div3A_33 = vector.broadcast %div3A_32 : f32 to vector<2000x1xf32>
    %div3A_34 = arith.divf %div3A_33, %max3A_31 : vector<2000x1xf32>
    %get3A_35 = arith.constant 0 : index
    %get3A_36 = arith.constant 0 : index
    %get3A_37 = vector.load %arg3[%get3A_35, %get3A_36] : memref<2000x128xbf16, #tpu.memory_space<vmem>>, vector<2000x128xbf16>
    %convert_element_type3A_38 = arith.extf %get3A_37 : vector<2000x128xbf16> to vector<2000x128xf32>
    %mul3A_39 = vector.broadcast %div3A_34 : vector<2000x1xf32> to vector<2000x128xf32>
    %mul3A_40 = arith.mulf %convert_element_type3A_38, %mul3A_39 : vector<2000x128xf32>
    %get3A_41 = arith.constant 0 : index
    %get3A_42 = arith.constant 0 : index
    %get3A_43 = vector.load %arg8[%get3A_41, %get3A_42] : memref<128x128xf32, #tpu.memory_space<vmem>>, vector<128x128xf32>
    %dot_general3A_44 = arith.constant dense<0.000000e+00> : vector<2000x128xf32>
    %dot_general3A_45 = tpu.matmul %mul3A_40, %get3A_43, %dot_general3A_44 {dimension_numbers = #tpu.dot_dimension_numbers<[1], [1], [0], [0], [0, 0, 1, 0], [], []>, transpose_lhs_hint = false} : vector<2000x128xf32>, vector<128x128xf32>, vector<2000x128xf32> -> vector<2000x128xf32>
    %get3A_46 = arith.constant 0 : index
    %get3A_47 = arith.constant 0 : index
    %get3A_48 = vector.load %arg9[%get3A_46, %get3A_47] : memref<1x128xf32, #tpu.memory_space<vmem>>, vector<1x128xf32>
    %get3A_49 = arith.constant 0 : index
    %get3A_50 = arith.constant 0 : index
    %get3A_51 = vector.load %arg10[%get3A_49, %get3A_50] : memref<1x128xf32, #tpu.memory_space<vmem>>, vector<1x128xf32>
    %get3A_52 = arith.constant 0 : index
    %get3A_53 = arith.constant 0 : index
    %get3A_54 = vector.load %arg11[%get3A_52, %get3A_53] : memref<1x128xf32, #tpu.memory_space<vmem>>, vector<1x128xf32>
    %add3A = arith.addf %get3A_51, %get3A_54 : vector<1x128xf32>
    %mul3A_55 = arith.constant 5.000000e-01 : f32
    %mul3A_56 = vector.broadcast %mul3A_55 : f32 to vector<1x128xf32>
    %mul3A_57 = arith.mulf %mul3A_56, %add3A : vector<1x128xf32>
    %add3A_58 = arith.addf %get3A_48, %mul3A_57 : vector<1x128xf32>
    %add3A_59 = arith.addf %dot_general3A_5, %dot_general3A_22 : vector<2000x128xf32>
    %add3A_60 = arith.addf %add3A_59, %dot_general3A_45 : vector<2000x128xf32>
    %add3A_61 = vector.broadcast %add3A_58 : vector<1x128xf32> to vector<2000x128xf32>
    %add3A_62 = arith.addf %add3A_60, %add3A_61 : vector<2000x128xf32>
    %swap3A = arith.constant 0 : index
    %swap3A_63 = arith.constant 0 : index
    %swap3A_64 = vector.load %arg12[%swap3A, %swap3A_63] : memref<2000x128xf32, #tpu.memory_space<vmem>>, vector<2000x128xf32>
    tpu.vector_store %arg12[%swap3A, %swap3A_63], %add3A_62 {strides = array<i32>} : memref<2000x128xf32, #tpu.memory_space<vmem>>, vector<2000x128xf32>,
    return
  }
  func.func @transform_0(%arg0: i32) -> (i32, i32) {
    %c0_i32 = arith.constant 0 : i32
    %c0_i32_0 = arith.constant 0 : i32
    return %arg0, %c0_i32 : i32, i32
  }
  func.func @transform_1(%arg0: i32) -> (i32, i32) {
    %c0_i32 = arith.constant 0 : i32
    %c0_i32_0 = arith.constant 0 : i32
    return %arg0, %c0_i32 : i32, i32
  }
  func.func @transform_2(%arg0: i32) -> (i32, i32) {
    %c0_i32 = arith.constant 0 : i32
    %c0_i32_0 = arith.constant 0 : i32
    return %arg0, %c0_i32 : i32, i32
  }
  func.func @transform_3(%arg0: i32) -> (i32, i32) {
    %c0_i32 = arith.constant 0 : i32
    %c0_i32_0 = arith.constant 0 : i32
    return %arg0, %c0_i32 : i32, i32
  }
  func.func @transform_4(%arg0: i32) -> (i32, i32) {
    %c0_i32 = arith.constant 0 : i32
    %c0_i32_0 = arith.constant 0 : i32
    return %arg0, %c0_i32 : i32, i32
  }
  func.func @transform_5(%arg0: i32) -> (i32, i32) {
    %c0_i32 = arith.constant 0 : i32
    %c0_i32_0 = arith.constant 0 : i32
    %c0_i32_1 = arith.constant 0 : i32
    return %c0_i32, %c0_i32_0 : i32, i32
  }
  func.func @transform_6(%arg0: i32) -> (i32, i32) {
    %c0_i32 = arith.constant 0 : i32
    %c0_i32_0 = arith.constant 0 : i32
    %c0_i32_1 = arith.constant 0 : i32
    return %c0_i32, %c0_i32_0 : i32, i32
  }
  func.func @transform_7(%arg0: i32) -> (i32, i32) {
    %c0_i32 = arith.constant 0 : i32
    %c0_i32_0 = arith.constant 0 : i32
    %c0_i32_1 = arith.constant 0 : i32
    return %c0_i32, %c0_i32_0 : i32, i32
  }
  func.func @transform_8(%arg0: i32) -> (i32, i32) {
    %c0_i32 = arith.constant 0 : i32
    %c0_i32_0 = arith.constant 0 : i32
    %c0_i32_1 = arith.constant 0 : i32
    return %c0_i32, %c0_i32_0 : i32, i32
  }
  func.func @transform_9(%arg0: i32) -> (i32, i32) {
    %c0_i32 = arith.constant 0 : i32
    %c0_i32_0 = arith.constant 0 : i32
    %c0_i32_1 = arith.constant 0 : i32
    return %c0_i32, %c0_i32_0 : i32, i32
  }
  func.func @transform_10(%arg0: i32) -> (i32, i32) {
    %c0_i32 = arith.constant 0 : i32
    %c0_i32_0 = arith.constant 0 : i32
    %c0_i32_1 = arith.constant 0 : i32
    return %c0_i32, %c0_i32_0 : i32, i32
  }
  func.func @transform_11(%arg0: i32) -> (i32, i32) {
    %c0_i32 = arith.constant 0 : i32
    %c0_i32_0 = arith.constant 0 : i32
    return %arg0, %c0_i32 : i32, i32
  }
}

</mosaic_0001>

<sc_bundles>
// kernel: kernel.4.cloned.1.call-start
scs
__scs_entry_jumppad:
0x0: {  	(pc) =	sbr.rel $0x88, $3  }
0x1: {  	(tag) =	ssettag $0x0;
	lr =	simm.s32 $0x1  }
0x2: {  	[smem:$0x3F99] =	sst lr;
	_ =	strace $0xD0000000  }
0x3: {  	_ = 	snop  }
0x4: {  	_ = 	snop  }
0x5: {  	_ = 	snop  }
0x6: {  	_ = 	snop  }
0x7: {  	_ = 	snop  }
__scs_overlays_trampoline_lowered:
0x8: {  	[smem:$0x3FA8] =	sst s0  }
0x9: {  	[smem:$0x3FA9] =	sst s1  }
0xa: {  	[smem:$0x3FAA] =	sst s2  }
0xb: {  	[smem:$0x3FAB] =	sst s3  }
0xc: {  	[smem:$0x3FAC] =	sst s4  }
0xd: {  	[smem:$0x3FAD] =	sst s5  }
0xe: {  	[smem:$0x3FAE] =	sst s6  }
0xf: {  	[smem:$0x3FAF] =	sst s7  }
0x10: {  	[smem:$0x3FB0] =	sst s8  }
0x11: {  	[smem:$0x3FB1] =	sst s9;
	s0 =	simm.s32 @!p0 $0x0  }
0x12: {  	s1 =	sld [smem:$0x3F97];
	s0 =	simm.s32 @p0 $0x1  }
0x13: {  	[smem:$0x3FB2] =	sst s0;
	s0 =	simm.s32 @!p1 $0x0  }
0x14: {  	s2 =	sld [smem:$0x3F96];
	s0 =	simm.s32 @p1 $0x1  }
0x15: {  	[smem:$0x3FB3] =	sst s0;
	s0 =	simm.s32 @!p2 $0x0  }
0x16: {  	s3 =	sld [smem:$0x3FDB];
	s0 =	simm.s32 @p2 $0x1  }
0x17: {  	s4 =	simm.s32 $0x1BF5;
	[smem:$0x3FB5] =	sst s0  }
0x18: {  	s0 =	sld [smem:$0x3F98];
	_ =	swait.ge [sflag:s4], $0x0  }
0x19: {  	s7 =	sld [smem:$0x3F99]  }
0x1a: {  	s8 =	sadd.s32 $0xFFFFE003, lr  }
0x1b: {  	s9 =	sadd.s32 $0xFFFFFEF7, lr;
	s5 =	simm.s32 $0xFFFFFFFF;
	p2 =	slt.u32 s8, $0xFFFFF086  }
0x1c: {  	p1 =	slt.u32 s9, $0xF7A;
	s5 =	simm.s32 @!p2 $0x0  }
0x1d: {  	s5 =	simm.s32 @p1 $0x1;
	p0 =	seq.s32 s7, s2  }
0x1e: {  	s7 =	smul.u32 @!p0 $0xF7A, s2;
	p2 =	seq.s32 @!p0 s5, $0x0  }
0x1f: {  	s9 =	smul.u32 $0xF7A, s1;
	s8 =	simm.s32 @!p0 $0x1BF5;
	p2 =	por !p2, p0  }
0x20: {  	[sflag:s8] =	ssyncset.s32 @!p0 $0xFFFFF086;
	s6 =	sadd.s32 @!p0 s3, s7;
	s7 =	simm.s32 @!p0 $0x108  }
0x21: {  	s3 =	sadd.s32 s3, s9;
	s6 =	sadd.s32 @!p0 $0x88, s6;
	s7 =	simm.s32 @p2 $0x1082  }
0x22: {  	[simem:s7], [sflag:s8] =	dma.local @!p0 [hbm:s6], $0xF7A  }
0x23: {  	s9 =	sor.u32 $0xD0000000, s2;
	s6 =	simm.s32 $0x108;
	_ =	swait.ge @!p0 [sflag:s8], $0x0  }
0x24: {  	s3 =	sadd.s32 $0x88, s3;
	s6 =	simm.s32 @!p1 $0x1082;
	[sflag:s4] =	ssyncset.s32 $0xFFFFF086  }
0x25: {  	[simem:s6], [sflag:s4] =	dma.local [hbm:s3], $0xF7A  }
0x26: {  	[smem:$0x3F99] =	sst s1;
	(tag) =	ssettag s2;
	_ =	strace s9  }
0x27: {  	s1 =	sld [smem:$0x3FA9]  }
0x28: {  	s2 =	sld [smem:$0x3FAA]  }
0x29: {  	s4 =	sld [smem:$0x3FAC]  }
0x2a: {  	p0 =	seq.s32 s5, $0x0;
	s5 =	sld [smem:$0x3FAD]  }
0x2b: {  	s6 =	sld [smem:$0x3FAE]  }
0x2c: {  	s7 =	sld [smem:$0x3FAF]  }
0x2d: {  	s3 =	simm.s32 $0x108;
	s8 =	sld [smem:$0x3FB0]  }
0x2e: {  	s3 =	simm.s32 @!p0 $0x1082;
	s9 =	sld [smem:$0x3FB1]  }
0x2f: {  	lr =	sadd.s32 s0, s3;
	s0 =	sld [smem:$0x3FA8]  }
0x30: {  	s3 =	sld [smem:$0x3FAB]  }
0x31: {  	[smem:$0x3FB4] =	sst s10  }
0x32: {  	s10 =	sld [smem:$0x3FB2];
	_ =	sdelay $0x3  }
0x33: {  	p0 =	seq.s32 s10, $0x1;
	s10 =	sld [smem:$0x3FB4];
	_ =	sdelay $0x3  }
0x34: {  	[smem:$0x3FB4] =	sst s10  }
0x35: {  	s10 =	sld [smem:$0x3FB3];
	_ =	sdelay $0x3  }
0x36: {  	p1 =	seq.s32 s10, $0x1;
	s10 =	sld [smem:$0x3FB4];
	_ =	sdelay $0x3  }
0x37: {  	[smem:$0x3FB4] =	sst s10  }
0x38: {  	s10 =	sld [smem:$0x3FB5]  }
0x39: {  	_ = 	snop;
	(pc) =	sbr.ind lr, $3  }
0x3a: {  	_ = 	snop  }
0x3b: {  	_ = 	snop  }
0x3c: {  	p2 =	seq.s32 s10, $0x1;
	s10 =	sld [smem:$0x3FB4]  }
0x3d: {  	_ =	shalt  }
0x3e: {  	_ =	shalt  }
0x3f: {  	_ =	shalt  }
0x40: {  	_ =	shalt  }
0x41: {  	_ =	shalt  }
0x42: {  	_ =	shalt  }
0x43: {  	_ =	shalt  }
0x44: {  	_ =	shalt  }
0x45: {  	_ =	shalt  }
0x46: {  	_ =	shalt  }
0x47: {  	_ =	shalt  }
0x48: {  	_ =	shalt  }
0x49: {  	_ =	shalt  }
0x4a: {  	_ =	shalt  }
0x4b: {  	_ =	shalt  }
0x4c: {  	_ =	shalt  }
0x4d: {  	_ =	shalt  }
0x4e: {  	_ =	shalt  }
0x4f: {  	_ =	shalt  }
0x50: {  	_ =	shalt  }
0x51: {  	_ =	shalt  }
0x52: {  	_ =	shalt  }
0x53: {  	_ =	shalt  }
0x54: {  	_ =	shalt  }
0x55: {  	_ =	shalt  }
0x56: {  	_ =	shalt  }
0x57: {  	_ =	shalt  }
0x58: {  	_ =	shalt  }
0x59: {  	_ =	shalt  }
0x5a: {  	_ =	shalt  }
0x5b: {  	_ =	shalt  }
0x5c: {  	_ =	shalt  }
0x5d: {  	_ =	shalt  }
0x5e: {  	_ =	shalt  }
0x5f: {  	_ =	shalt  }
0x60: {  	_ =	shalt  }
0x61: {  	_ =	shalt  }
0x62: {  	_ =	shalt  }
0x63: {  	_ =	shalt  }
0x64: {  	_ =	shalt  }
0x65: {  	_ =	shalt  }
0x66: {  	_ =	shalt  }
0x67: {  	_ =	shalt  }
0x68: {  	_ =	shalt  }
0x69: {  	_ =	shalt  }
0x6a: {  	_ =	shalt  }
0x6b: {  	_ =	shalt  }
0x6c: {  	_ =	shalt  }
0x6d: {  	_ =	shalt  }
0x6e: {  	_ =	shalt  }
0x6f: {  	_ =	shalt  }
0x70: {  	_ =	shalt  }
0x71: {  	_ =	shalt  }
0x72: {  	_ =	shalt  }
0x73: {  	_ =	shalt  }
0x74: {  	_ =	shalt  }
0x75: {  	_ =	shalt  }
0x76: {  	_ =	shalt  }
0x77: {  	_ =	shalt  }
0x78: {  	_ =	shalt  }
0x79: {  	_ =	shalt  }
0x7a: {  	_ =	shalt  }
0x7b: {  	_ =	shalt  }
0x7c: {  	_ =	shalt  }
0x7d: {  	_ =	shalt  }
0x7e: {  	_ =	shalt  }
0x7f: {  	_ =	shalt  }
0x80: {  	_ =	shalt  }
0x81: {  	_ =	shalt  }
0x82: {  	_ =	shalt  }
0x83: {  	_ =	shalt  }
0x84: {  	_ =	shalt  }
0x85: {  	_ =	shalt  }
0x86: {  	_ =	shalt  }
0x87: {  	_ =	shalt  }
.Lfunc_end0:
.L_simem_size_0:
called_computation_lowered:
.L_overlay_start_0:
0x88: {  	s2 =	sld [smem:$0x3FD9]  }
0x89: {  	s3 =	sld [smem:$0x3FFE];
	_ =	sdelay $0x1  }
0x8a: {  	s1 =	srdreg.scid  }
0x8b: {  	s0 =	sand.u32 $0x1, s1  }
0x8c: {  	s17 =	sshll.u32 s0, $0xA;
	s2 =	sadd.s32 s3, s2  }
0x8d: {  	s2 =	sadd.s32 s2, s17  }
0x8e: {  	[smem:$0x3FC0] =	sst s2  }
0x8f: {  	_ = 	snop  }
0x90: {  	s2 =	sld [smem:$0x3FD0];
	(tm) =	ssettm $0x1  }
0x91: {  	s18 =	sld [smem:$0x3FFB];
	_ =	sdelay $0x3  }
0x92: {  	_ =	strace s18  }
0x93: {  	s3 =	sld [smem:$0x3FFC];
	_ =	sdelay $0x3  }
0x94: {  	_ =	strace s3  }
0x95: {  	s3 =	sld [smem:$0x3FFD];
	_ =	sdelay $0x3  }
0x96: {  	_ =	strace s3  }
0x97: {  	_ =	strace $0x8FFFFFFF  }
0x98: {  	s19 =	sld [smem:$0x3FDB];
	_ =	sdelay $0x1  }
0x99: {  	s4 =	simm.s32 $_scs_section_size  }
0x9a: {  	s5 =	simm.s32 $_size__tile_overlayer_lowered;
	s6 =	simm.s32 $_tile_overlayer_lowered  }
0x9b: {  	s22 =	simm.s32 $0x1BFF;
	s21 =	sshll.u32 s6, $0x1;
	s3 =	sadd.s32 s4, s19  }
0x9c: {  	s7 =	simm.s32 $0x0;
	s20 =	sshll.u32 s5, $0x1;
	s5 =	sadd.s32 s21, s3  }
0x9d: {  	[timem:s7], [sflag:s22] =	dma.local [hbm:s5], s20  }
0x9e: {  	_ =	swait.ge [sflag:s22], s20  }
0x9f: {  	s4 =	ssub.s32 $0x0, s20;
	[sflag:s22] =	ssyncset.done $0x0  }
0xa0: {  	[sflag:s22] =	ssyncadd.s32 s4;
	_ =	sdelay $0x1  }
0xa1: {  	s23 =	simm.s32 $0x1B8B  }
0xa2: {  	_ =	swait.ge [sflag:s23], $0x1  }
0xa3: {  	[sflag:s23] =	ssyncset.done $0x0  }
0xa4: {  	s25 =	simm.s32 $0x1B8E;
	s24 =	sld [smem:$0x3FFE];
	[sflag:s23] =	ssyncadd.s32 $0xFFFFFFFF  }
0xa5: {  	s26 =	simm.s32 $execute0_lowered;
	[smem:$0x3FD2] =	sst s25  }
0xa6: {  	s5 =	sshll.u32 s26, $0x1;
	_ =	strace $0x80000046;
	[dreg:$0x1] =	wrdreg $0xFFFFFFFF  }
0xa7: {  	s28 =	simm.s32 $_size_execute0_lowered;
	s3 =	sadd.s32 s3, s5;
	[dreg:$0x0] =	wrdreg $0x0  }
0xa8: {  	s5 =	sshll.u32 s28, $0x1;
	[dreg:$0x2] =	wrdreg s3  }
0xa9: {  	[dreg:$0x3] =	wrdreg s5  }
0xaa: {  	[dreg:$0x4] =	wrdreg $0xC0  }
0xab: {  	_ =	task [dreg:s7], $0x5FFFF  }
0xac: {  	[dreg:$0x1] =	wrdreg $0xFFFFFFFF  }
0xad: {  	[dreg:$0x0] =	wrdreg $0x60  }
0xae: {  	[dreg:$0x2] =	wrdreg s2  }
0xaf: {  	[dreg:$0x3] =	wrdreg s24  }
0xb0: {  	[dreg:$0x4] =	wrdreg $0xEC400  }
0xb1: {  	[dreg:$0x5] =	wrdreg $0x9  }
0xb2: {  	_ =	task.clear_ibuf [dreg:s7], $0x6FFFF;
	_ =	strace $0x90000046  }
0xb3: {  	s29 =	simm.s32 $0x9;
	_ =	strace $0x80000048  }
0xb4: {  	_ =	swait.ge [sflag:s29], $0x1  }
0xb5: {  	[sflag:s29] =	ssyncadd.s32 $0xFFFFFFFF  }
0xb6: {  	_ =	strace $0x90000048  }
0xb7: {  	_ =	sfence  }
0xb8: {  	s30 =	sld [smem:$0x0];
	_ =	sdelay $0x2  }
0xb9: {  	s31 =	sshll.u32 s1, $0xD;
	s1 =	sshrl.u32 s1, $0x2  }
0xba: {  	s3 =	sand.u32 $0x4000, s31;
	s1 =	sadd.s32 s1, s30  }
0xbb: {  	s0 =	sor.u32 s3, s0;
	s1 =	sshll.u32 s1, $0x11  }
0xbc: {  	s0 =	sor.u32 s1, s0  }
0xbd: {  	s0 =	sadd.s32 $0x8F2B, s0  }
0xbe: {  	[sflag:s0] =	ssyncadd.remote.s32 $0x1  }
0xbf: {  	_ =	sfence.sel $0xFFFF  }
0xc0: {  	[dreg:$0x0] =	wrdreg $0xFFFFFFFF;
	(pc) =	sbr.abs _section_cstart, $3  }
0xc1: {  	[dreg:$0x1] =	wrdreg $0xFFFFFFFF  }
0xc2: {  	_ =	task.clear_ibuf [dreg:s7], $0x2FFFF;
	_ =	strace $0x9FFFFFFF  }
0xc3: {  	(tm) =	ssettm $0x7FFFFFFF  }
tec
execute0_lowered:
.L_overlay_start_1:
0x0: {  	(tag) =	ssettag $0x1  }
0x1: {  	s1 =	rddreg [dreg:$0x0]  }
0x2: {  	s6 =	rddreg [dreg:$0x1];
	s2 =	srdreg.scid  }
0x3: {  	s0 =	stileid.u32;
	s3 =	rddreg [dreg:$0x2];
	s4 =	simm.s32 $0x0  }
0x4: {  	s16 =	simm.s32 $0x9C40;
	s17 =	simm.s32 $0xB040;
	s18 =	simm.s32 $0xC440  }
0x5: {  	s19 =	simm.s32 $0x1;
	s20 =	simm.s32 $0x2;
	s21 =	simm.s32 $0x4DD0  }
0x6: {  	s22 =	simm.s32 $0x9BA0;
	s23 =	simm.s32 $0x9BF0;
	s24 =	simm.s32 $0x0  }
0x7: {  	s7 =	sand.u32 $0x1, s2;
	s8 =	smul.u32 $0x14000, s0;
	s2 =	rddreg [dreg:$0x3]  }
0x8: {  	[smem:$0x7FF] =	sst s4;
	s10 =	sadd.s32 $0x3000, s6;
	s14 =	smul.u32 $0x4E20, s0  }
0x9: {  	s29 =	sshll.u32 s0, $0x6;
	s5 =	smul.u32 $0x140000, s7;
	s9 =	sshll.u32 s7, $0x4  }
0xa: {  	s12 =	smul.u32 $0x4E200, s7;
	s13 =	ssub.s32 $0x2, s7;
	s7 =	sxor.u32 $0x1, s7  }
0xb: {  	_ =	strace $0x80000047;
	s9 =	sor.u32 s0, s9;
	s7 =	smul.u32 $0x4E200, s7  }
0xc: {  	s15 =	sshrl.u32 s13, $0x1;
	s5 =	sadd.s32 s8, s5;
	s9 =	smul.u32 $0x500, s9  }
0xd: {  	s8 =	sshrl.u32 s8, $0x1;
	s13 =	ssub.s32 s13, s15;
	s30 =	sadd.s32 s14, s12  }
0xe: {  	s15 =	simm.s32 $0x50;
	s11 =	sshrl.u32 s5, $0x4;
	s5 =	sadd.s32 $0x1C00, s6  }
0xf: {  	s28 =	sadd.s32 s8, s3;
	s7 =	sadd.s32 s14, s7;
	s8 =	sshrl.u32 s30, $0x3  }
0x10: {  	s14 =	simm.s32 $0x4E20;
	s11 =	sadd.s32 s11, s6;
	s9 =	sadd.s32 s9, s6  }
0x11: {  	s6 =	sor.u32 $0x1C03, s29;
	s31 =	sshrl.u32 s7, $0x3;
	s7 =	sadd.s32 s10, s8  }
0x12: {  	s12 =	sshrl.u32 s28, $0x3;
	s8 =	sadd.s32 s10, s31;
	s9 =	sadd.s32 $0x3EA00, s9  }
0x13: {  	v0 =	vimm.f32 $0.0e+00;
	v1 =	vimm.f32 $1.000000000e+00;
	s10 =	sadd.s32 $0x16A00, s11;
	s11 =	smax.u32 s13, $0x1;
	s13 =	simm.s32 $0x3  }
.LBB2_1:
0x14: {  	[spmem:s12], [sflag:s6] =	dma.local [hbm:s5], $0x1400  }
0x15: {  	_ =	swait.ge [sflag:s13], $0x1400  }
0x16: {  	[sflag:s13] =	ssyncset.done $0x0  }
0x17: {  	[sflag:s13] =	ssyncadd.s32 $0xFFFFEC00  }
0x18: {  	[tilespmem:s4], [sflag:$0x3] =	stream.linear.gather [hbm4b:s7+s4], $0x4E20, $0x38;
	[tilespmem:$0x18C40] =	vst v63  }
0x19: {  	_ =	swait.ge [sflag:s13], $0x4E20  }
0x1a: {  	[sflag:s13] =	ssyncset.done $0x0  }
0x1b: {  	[sflag:s13] =	ssyncadd.s32 $0xFFFFB1E0  }
0x1c: {  	[tilespmem:s14], [sflag:$0x3] =	stream.linear.gather [hbm4b:s8+s4], $0x4E20, $0x38;
	[tilespmem:$0x18C40] =	vst v63  }
0x1d: {  	_ =	swait.ge [sflag:s13], $0x4E20  }
0x1e: {  	[sflag:s13] =	ssyncset.done $0x0  }
0x1f: {  	s25 =	simm.s32 $0x40;
	s26 =	simm.s32 $0x0;
	[sflag:s13] =	ssyncadd.s32 $0xFFFFB1E0  }
.LBB2_2:
0x20: {  	p0 =	sne.s32 s25, $0x9FC0;
	[tilespmem:s26+$0xC440] =	vst v0;
	s26 =	smov.u32 s25;
	s25 =	sadd.s32 $0x40, s25  }
.Ltmp0:
0x21: {  	(pc) =	sbr.rel @p0 .LBB2_2-.Ltmp0, $2  }
0x22: {  	_ =	sdelay $0x2  }
0x23: {  	s26 =	sshra.s32 s26, $0x2  }
0x24: {  	[tilespmem:s26+$0xC440] =	vst v0  }
0x25: {  	s25 =	simm.s32 $0x0;
	[bflag:$0x0] =	sbarrier.arrive $0xFFFF  }
0x26: {  	[tilespmem:s16], [sflag:$0x1] =	stream.indirect.gather [hbm4b:s1+s15], $0x40, s25, s15, $0xb8;
	[tilespmem:$0x18C40] =	vst v63  }
.LBB2_4:
0x27: {  	s26 =	sshra.s32 s25, $0x2  }
0x28: {  	s28 =	sadd.s32 $0x50, s26  }
0x29: {  	[tilespmem:s17], [sflag:$0x2] =	stream.indirect.gather [hbm4b:s1+s15], $0x40, s28, s15, $0xb8;
	[tilespmem:$0x18C40] =	vst v63  }
0x2a: {  	v2 =	vld [tilespmem:s26+$0x4E20];
	_ =	sdelay $0x7  }
0x2b: {  	[tilespmem:v2+s18+$0x0] =	vst.idx.add.f32.msk $0xffff, v1  }
0x2c: {  	v2 =	vld [tilespmem:s26+$0x4E30];
	_ =	sdelay $0x7  }
0x2d: {  	[tilespmem:v2+s18+$0x0] =	vst.idx.add.f32.msk $0xffff, v1  }
0x2e: {  	v2 =	vld [tilespmem:s26+$0x4E40];
	_ =	sdelay $0x7  }
0x2f: {  	[tilespmem:v2+s18+$0x0] =	vst.idx.add.f32.msk $0xffff, v1  }
0x30: {  	v2 =	vld [tilespmem:s26+$0x4E50];
	_ =	sdelay $0x7  }
0x31: {  	[tilespmem:v2+s18+$0x0] =	vst.idx.add.f32.msk $0xffff, v1  }
0x32: {  	v2 =	vld [tilespmem:s26+$0x4E60];
	_ =	sdelay $0x7  }
0x33: {  	[tilespmem:v2+s18+$0x0] =	vst.idx.add.f32.msk $0xffff, v1  }
0x34: {  	_ =	swait.ge [sflag:s19], $0x1400  }
0x35: {  	[sflag:s19] =	ssyncset.done $0x0  }
0x36: {  	s30 =	sadd.s32 $0x4E20, s26;
	[sflag:s19] =	ssyncadd.s32 $0xFFFFEC00  }
0x37: {  	[spmem:s3] =	stream.indirect.scatter.add.bf16 [tilespmem:s16], [sflag:$0x3], $0x40, s30, s15, $0xb8;
	[tilespmem:$0x18C40] =	vst v63  }
0x38: {  	_ =	swait.ge [sflag:s13], $0x1400  }
0x39: {  	[sflag:s13] =	ssyncset.done $0x0  }
0x3a: {  	s31 =	sadd.s32 $0xA0, s26;
	[sflag:s13] =	ssyncadd.s32 $0xFFFFEC00  }
0x3b: {  	[tilespmem:s16], [sflag:$0x1] =	stream.indirect.gather [hbm4b:s1+s15], $0x40, s31, s15, $0xb8;
	[tilespmem:$0x18C40] =	vst v63  }
0x3c: {  	v2 =	vld [tilespmem:s26+$0x4E70];
	_ =	sdelay $0x7  }
0x3d: {  	[tilespmem:v2+s18+$0x0] =	vst.idx.add.f32.msk $0xffff, v1  }
0x3e: {  	v2 =	vld [tilespmem:s26+$0x4E80];
	_ =	sdelay $0x7  }
0x3f: {  	[tilespmem:v2+s18+$0x0] =	vst.idx.add.f32.msk $0xffff, v1  }
0x40: {  	v2 =	vld [tilespmem:s26+$0x4E90];
	_ =	sdelay $0x7  }
0x41: {  	[tilespmem:v2+s18+$0x0] =	vst.idx.add.f32.msk $0xffff, v1  }
0x42: {  	v2 =	vld [tilespmem:s26+$0x4EA0];
	_ =	sdelay $0x7  }
0x43: {  	[tilespmem:v2+s18+$0x0] =	vst.idx.add.f32.msk $0xffff, v1  }
0x44: {  	v2 =	vld [tilespmem:s26+$0x4EB0];
	_ =	sdelay $0x7  }
0x45: {  	[tilespmem:v2+s18+$0x0] =	vst.idx.add.f32.msk $0xffff, v1  }
0x46: {  	_ =	swait.ge [sflag:s20], $0x1400  }
0x47: {  	p0 =	sne.s32 s25, $0x13380;
	[sflag:s20] =	ssyncset.done $0x0  }
.Ltmp1:
0x48: {  	s26 =	sadd.s32 $0x4E70, s26;
	[sflag:s20] =	ssyncadd.s32 $0xFFFFEC00;
	(pc) =	sbr.rel @p0 .LBB2_4-.Ltmp1, $4  }
0x49: {  	[spmem:s3] =	stream.indirect.scatter.add.bf16 [tilespmem:s17], [sflag:$0x3], $0x40, s26, s15, $0xb8;
	[tilespmem:$0x18C40] =	vst v63  }
0x4a: {  	_ =	swait.ge [sflag:s13], $0x1400  }
0x4b: {  	[sflag:s13] =	ssyncset.done $0x0  }
0x4c: {  	s25 =	sadd.s32 $0x280, s25;
	[sflag:s13] =	ssyncadd.s32 $0xFFFFEC00  }
0x4d: {  	[tilespmem:s17], [sflag:$0x2] =	stream.indirect.gather [hbm4b:s1+s15], $0x40, s21, s15, $0xb8;
	[tilespmem:$0x18C40] =	vst v63  }
0x4e: {  	v2 =	vld [tilespmem:$0x9BA0];
	_ =	sdelay $0x7  }
0x4f: {  	[tilespmem:v2+s18+$0x0] =	vst.idx.add.f32.msk $0xffff, v1  }
0x50: {  	v2 =	vld [tilespmem:$0x9BB0];
	_ =	sdelay $0x7  }
0x51: {  	[tilespmem:v2+s18+$0x0] =	vst.idx.add.f32.msk $0xffff, v1  }
0x52: {  	v2 =	vld [tilespmem:$0x9BC0];
	_ =	sdelay $0x7  }
0x53: {  	[tilespmem:v2+s18+$0x0] =	vst.idx.add.f32.msk $0xffff, v1  }
0x54: {  	v2 =	vld [tilespmem:$0x9BD0];
	_ =	sdelay $0x7  }
0x55: {  	[tilespmem:v2+s18+$0x0] =	vst.idx.add.f32.msk $0xffff, v1  }
0x56: {  	v2 =	vld [tilespmem:$0x9BE0];
	_ =	sdelay $0x7  }
0x57: {  	[tilespmem:v2+s18+$0x0] =	vst.idx.add.f32.msk $0xffff, v1  }
0x58: {  	_ =	swait.ge [sflag:s19], $0x1400  }
0x59: {  	[sflag:s19] =	ssyncset.done $0x0  }
0x5a: {  	[sflag:s19] =	ssyncadd.s32 $0xFFFFEC00  }
0x5b: {  	[spmem:s3] =	stream.indirect.scatter.add.bf16 [tilespmem:s16], [sflag:$0x3], $0x40, s22, s15, $0xb8;
	[tilespmem:$0x18C40] =	vst v63  }
0x5c: {  	_ =	swait.ge [sflag:s13], $0x1400  }
0x5d: {  	[sflag:s13] =	ssyncset.done $0x0  }
0x5e: {  	[sflag:s13] =	ssyncadd.s32 $0xFFFFEC00  }
0x5f: {  	v2 =	vld [tilespmem:$0x9BF0];
	_ =	sdelay $0x7  }
0x60: {  	[tilespmem:v2+s18+$0x0] =	vst.idx.add.f32.msk $0xffff, v1  }
0x61: {  	v2 =	vld [tilespmem:$0x9C00];
	_ =	sdelay $0x7  }
0x62: {  	[tilespmem:v2+s18+$0x0] =	vst.idx.add.f32.msk $0xffff, v1  }
0x63: {  	v2 =	vld [tilespmem:$0x9C10];
	_ =	sdelay $0x7  }
0x64: {  	[tilespmem:v2+s18+$0x0] =	vst.idx.add.f32.msk $0xffff, v1  }
0x65: {  	v2 =	vld [tilespmem:$0x9C20];
	_ =	sdelay $0x7  }
0x66: {  	[tilespmem:v2+s18+$0x0] =	vst.idx.add.f32.msk $0xffff, v1  }
0x67: {  	v2 =	vld [tilespmem:$0x9C30];
	_ =	sdelay $0x7  }
0x68: {  	[tilespmem:v2+s18+$0x0] =	vst.idx.add.f32.msk $0xffff, v1  }
0x69: {  	_ =	swait.ge [sflag:s20], $0x1400  }
0x6a: {  	[sflag:s20] =	ssyncset.done $0x0  }
0x6b: {  	[sflag:s20] =	ssyncadd.s32 $0xFFFFEC00  }
0x6c: {  	[spmem:s3] =	stream.indirect.scatter.add.bf16 [tilespmem:s17], [sflag:$0x3], $0x40, s23, s15, $0xb8;
	[tilespmem:$0x18C40] =	vst v63  }
0x6d: {  	_ =	swait.ge [sflag:s13], $0x1400  }
0x6e: {  	[sflag:s13] =	ssyncset.done $0x0  }
0x6f: {  	[sflag:s13] =	ssyncadd.s32 $0xFFFFEC00  }
0x70: {  	[hbm4b:s9+s4] =	stream.linear.scatter [tilespmem:s18], [sflag:$0x3], $0x2800, $0x38;
	[tilespmem:$0x18C40] =	vst v63  }
0x71: {  	_ =	swait.ge [sflag:s13], $0x2800  }
0x72: {  	s24 =	sadd.s32 $0x1, s24;
	[sflag:s13] =	ssyncset.done $0x0  }
0x73: {  	p0 =	sne.s32 s24, s11;
	[sflag:s13] =	ssyncadd.s32 $0xFFFFD800  }
.Ltmp2:
0x74: {  	[bflag:$0x0] =	sbarrier.arrive $0xFFFF;
	(pc) =	sbr.rel @p0 .LBB2_1-.Ltmp2, $4  }
0x75: {  	[hbm:s10], [sflag:s6] =	dma.local [spmem:s12], $0x1400  }
0x76: {  	_ =	swait.ge [sflag:s13], $0x1400  }
0x77: {  	[sflag:s13] =	ssyncset.done $0x0  }
0x78: {  	[sflag:s13] =	ssyncadd.s32 $0xFFFFEC00  }
0x79: {  	_ =	sfence.sel $0x180000  }
0x7a: {  	[bflag:$0x0] =	sbarrier.arrive $0xFFFF  }
0x7b: {  	p0 =	sne.s32 s0, $0x0;
	_ =	strace $0x90000047  }
0x7c: {  	s0 =	sadd.s32 @!p0 $0x100000, s2;
	[bflag:$0x2] =	sbarrier.arrive $0xFFFF  }
0x7d: {  	[sflag:s0] =	ssyncadd.tile.s32 @!p0 $0x1;
	_ =	shalt  }
.Lfunc_end2:
_tile_overlayer_lowered:
.L_overlay_start_2:
0x7e: {  	(tag) =	ssettag $0x2  }
0x7f: {  	s0 =	rddreg [dreg:$0x0];
	s2 =	stileid.u32  }
0x80: {  	s1 =	rddreg [dreg:$0x1];
	p0 =	sne.s32 s2, $0x0  }
0x81: {  	s3 =	rddreg [dreg:$0x2];
	[bflag:$0x3] =	sbarrier.arrive $0xFFFF;
	s2 =	simm.s32 @!p0 $0x1C03  }
0x82: {  	[timem:s3], [sflag:s2] =	dma.local @!p0 [hbm:s0], s1  }
0x83: {  	s0 =	simm.s32 @!p0 $0x3  }
0x84: {  	_ =	swait.ge @!p0 [sflag:s0], s1  }
0x85: {  	s1 =	ssub.s32 @!p0 $0x0, s1;
	[sflag:s0] =	ssyncset.done @!p0 $0x0  }
0x86: {  	[sflag:s0] =	ssyncadd.s32 @!p0 s1  }
0x87: {  	[bflag:$0x3] =	sbarrier.arrive $0xFFFF  }
0x88: {  	_ =	shalt  }

</sc_bundles>
